<compile_context>
chip_gen: v7x
topology: tpu7x:2x2x1
jax: 0.10.2.dev20260603
libtpu: 0.0.44.dev20260713+nightly
codegen_flags: <defaults>
</compile_context>

<pallas_src>
import functools

import jax
import jax.numpy as jnp
from jax import lax
from jax.experimental import pallas as pl
from jax.experimental.pallas import tpu as pltpu
from jax.experimental.pallas import tpu_sc as plsc

VOCAB = 3
T_DIM = 4
TBL_ROWS = VOCAB ** T_DIM
NUM_CORES = 1
NUM_SUBCORES = 16
LANES = 16
NUM_WORKERS = NUM_CORES * NUM_SUBCORES


def _make_sc_gather(n_idx: int, tbl_len: int):
    chunk = n_idx // NUM_WORKERS
    groups = chunk // LANES

    mesh = plsc.VectorSubcoreMesh(
        core_axis_name="c", subcore_axis_name="s", num_cores=NUM_CORES
    )

    @functools.partial(
        pl.kernel,
        out_type=jax.ShapeDtypeStruct((n_idx * VOCAB,), jnp.float32),
        mesh=mesh,
        scratch_types=[
            pltpu.VMEM((chunk,), jnp.int32),
            pltpu.VMEM((tbl_len,), jnp.float32),
            pltpu.VMEM((chunk * VOCAB,), jnp.float32),
            pltpu.SemaphoreType.DMA,
            pltpu.SemaphoreType.DMA,
            pltpu.SemaphoreType.DMA,
        ],
        compiler_params=pltpu.CompilerParams(needs_layout_passes=False),
    )
    def sc_gather(idx_hbm, tbl_hbm, out_hbm, idx_v, tbl_v, out_v, s0, s1, s2):
        wid = lax.axis_index("s") * NUM_CORES + lax.axis_index("c")
        base = wid * chunk
        cp_idx = pltpu.async_copy(idx_hbm.at[pl.ds(base, chunk)], idx_v, s0)
        cp_tbl = pltpu.async_copy(tbl_hbm, tbl_v, s1)
        cp_idx.wait()
        cp_tbl.wait()

        @plsc.parallel_loop(0, groups, unroll=8)
        def body(g):
            jg = lax.shift_right_logical(g, 3) & 3
            scale = jnp.where(
                jg == 0, 1, jnp.where(jg == 1, 3, jnp.where(jg == 2, 9, 27))
            )
            iv = idx_v[pl.ds(g * LANES, LANES)]
            f = iv * scale
            for c in range(VOCAB):
                vals = plsc.load_gather(tbl_v, [f + c * TBL_ROWS])
                out_v[pl.ds(c * chunk + g * LANES, LANES)] = vals

        sems = (s0, s1, s2)
        cps = [
            pltpu.async_copy(
                out_v.at[pl.ds(c * chunk, chunk)],
                out_hbm.at[pl.ds(c * n_idx + base, chunk)],
                sems[c],
            )
            for c in range(VOCAB)
        ]
        for cp in cps:
            cp.wait()

    return sc_gather


def kernel(idx, outputs):
    b, t = idx.shape
    ihi = b // 128
    idx_nat = (
        idx.reshape(ihi, 128, t).transpose(0, 2, 1).reshape(-1).astype(jnp.int32)
    )
    tbl_cols = outputs.T.reshape(-1)
    out_flat = _make_sc_gather(b * t, tbl_cols.shape[0])(idx_nat, tbl_cols)
    return (
        out_flat.reshape(VOCAB, ihi, t, 128)
        .transpose(1, 3, 2, 0)
        .reshape(b, t, VOCAB)
    )

# --- scband reference (transcript-rebuilt; emitter-appended) ---
"""Pipeline reference for scband-dummy-model-34926674051277 (READ-ONLY COPY).

The authoritative reference and input builder live on the scoring server;
editing this copy changes nothing except your own understanding.
"""

import jax, jax.numpy as jnp
import numpy as np

VOCAB_SIZE = 3
BLOCK_SIZE = 4

def setup_inputs(seed: int = 0) -> dict:
    key = jax.random.key(seed)
    k1, k2 = jax.random.split(key)
    idx = jax.random.randint(k1, (16384, BLOCK_SIZE), 0, VOCAB_SIZE).astype(jnp.int64) if jax.config.jax_enable_x64 else jax.random.randint(k1, (16384, BLOCK_SIZE), 0, VOCAB_SIZE)
    outputs = jax.random.normal(k2, (VOCAB_SIZE ** BLOCK_SIZE, VOCAB_SIZE), dtype=jnp.float32)
    return {"idx": idx, "outputs": outputs}

def reference(idx, outputs):
    b, t = idx.shape
    # idx = idx * vocab_size ** arange(t), viewed as (1, t)
    scale = (VOCAB_SIZE ** jnp.arange(t)).reshape(1, t)
    flat = (idx * scale).reshape(-1)
    # gather rows from the lookup table, reshape to (b, t, vocab_size)
    out = jnp.take(outputs, flat, axis=0).reshape(b, t, VOCAB_SIZE)
    return out

if __name__ == "__main__":
    import jax
    _d = setup_inputs()
    print(jax.jit(kernel)(*tuple(_d.values())))

</pallas_src>

<mosaic_0001>
#map = affine_map<(d0, d1) -> (0)>
module attributes {stable_mosaic.version = 14 : i64} {
  func.func @sc_gather(%arg0: i32, %arg1: i32, %arg2: memref<65536xi32, #tpu.memory_space<hbm>>, %arg3: memref<243xf32, #tpu.memory_space<hbm>>, %arg4: memref<196608xf32, #tpu.memory_space<hbm>>, %arg5: memref<4096xi32, #tpu.memory_space<vmem>>, %arg6: memref<243xf32, #tpu.memory_space<vmem>>, %arg7: memref<12288xf32, #tpu.memory_space<vmem>>, %arg8: memref<!tpu.dma_semaphore, #tpu.memory_space<semaphore_mem>>, %arg9: memref<!tpu.dma_semaphore, #tpu.memory_space<semaphore_mem>>, %arg10: memref<!tpu.dma_semaphore, #tpu.memory_space<semaphore_mem>>) attributes {dimension_semantics = [#tpu.dimension_semantics<core_parallel>, #tpu.dimension_semantics<subcore_parallel>], iteration_bounds = array<i64: 1, 16>, scalar_prefetch = 0 : i64, scratch_operands = 6 : i64, tpu.core_type = #tpu.core_type<sc_vector_subcore>, window_params = [{transform_indices = #map}, {transform_indices = #map}, {transform_indices = #map}]} {
    %mul3A = arith.constant 1 : i32
    %mul3A_0 = arith.muli %arg1, %mul3A : i32
    %add3A = arith.addi %mul3A_0, %arg0 : i32
    %mul3A_1 = arith.constant 4096 : i32
    %mul3A_2 = arith.muli %add3A, %mul3A_1 : i32
    %dma_start3A = tpu.memref_slice %arg2[%mul3A_2] : memref<65536xi32, #tpu.memory_space<hbm>> -> memref<4096xi32, #tpu.memory_space<hbm>>
    %dma_start3A_3 = tpu.memref_slice %arg2[%mul3A_2] : memref<65536xi32, #tpu.memory_space<hbm>> -> memref<4096xi32, #tpu.memory_space<hbm>>
    tpu.enqueue_dma source(%dma_start3A_3 : memref<4096xi32, #tpu.memory_space<hbm>>) target(%arg5 : memref<4096xi32, #tpu.memory_space<vmem>>) target_semaphore(%arg8 : memref<!tpu.dma_semaphore, #tpu.memory_space<semaphore_mem>>)
    tpu.enqueue_dma source(%arg3 : memref<243xf32, #tpu.memory_space<hbm>>) target(%arg6 : memref<243xf32, #tpu.memory_space<vmem>>) target_semaphore(%arg9 : memref<!tpu.dma_semaphore, #tpu.memory_space<semaphore_mem>>)
    %dma_wait3A = tpu.memref_slice %arg2[%mul3A_2] : memref<65536xi32, #tpu.memory_space<hbm>> -> memref<4096xi32, #tpu.memory_space<hbm>>
    %dma_wait3A_4 = tpu.memref_slice %arg2[%mul3A_2] : memref<65536xi32, #tpu.memory_space<hbm>> -> memref<4096xi32, #tpu.memory_space<hbm>>
    tpu.wait_dma2 semaphore(%arg8 : memref<!tpu.dma_semaphore, #tpu.memory_space<semaphore_mem>>) src(%dma_wait3A_4 : memref<4096xi32, #tpu.memory_space<hbm>>) dst(%arg5 : memref<4096xi32, #tpu.memory_space<vmem>>)
    tpu.wait_dma2 semaphore(%arg9 : memref<!tpu.dma_semaphore, #tpu.memory_space<semaphore_mem>>) src(%arg3 : memref<243xf32, #tpu.memory_space<hbm>>) dst(%arg6 : memref<243xf32, #tpu.memory_space<vmem>>)
    %parallel_loop3A = arith.constant 0 : i32
    %parallel_loop3A_5 = arith.constant 256 : i32
    %parallel_loop3A_6 = arith.constant 1 : i32
    scf.for %parallel_loop3A_49 = %parallel_loop3A to %parallel_loop3A_5 step %parallel_loop3A_6  : i32 {
      %parallel_loop3A_50 = arith.constant 3 : i32
      %parallel_loop3A_51 = arith.shrui %parallel_loop3A_49, %parallel_loop3A_50 : i32
      %parallel_loop3A_52 = arith.constant 3 : i32
      %parallel_loop3A_53 = arith.andi %parallel_loop3A_51, %parallel_loop3A_52 : i32
      %parallel_loop3A_54 = arith.constant 0 : i32
      %parallel_loop3A_55 = arith.cmpi eq, %parallel_loop3A_53, %parallel_loop3A_54 : i32
      %parallel_loop3A_56 = arith.constant 1 : i32
      %parallel_loop3A_57 = arith.cmpi eq, %parallel_loop3A_53, %parallel_loop3A_56 : i32
      %parallel_loop3A_58 = arith.constant 2 : i32
      %parallel_loop3A_59 = arith.cmpi eq, %parallel_loop3A_53, %parallel_loop3A_58 : i32
      %parallel_loop3A_60 = arith.constant 9 : i32
      %parallel_loop3A_61 = arith.constant 27 : i32
      %parallel_loop3A_62 = arith.select %parallel_loop3A_59, %parallel_loop3A_60, %parallel_loop3A_61 : i32
      %parallel_loop3A_63 = arith.constant 3 : i32
      %parallel_loop3A_64 = arith.select %parallel_loop3A_57, %parallel_loop3A_63, %parallel_loop3A_62 : i32
      %parallel_loop3A_65 = arith.constant 1 : i32
      %parallel_loop3A_66 = arith.select %parallel_loop3A_55, %parallel_loop3A_65, %parallel_loop3A_64 : i32
      %parallel_loop3A_67 = arith.constant 16 : i32
      %parallel_loop3A_68 = arith.muli %parallel_loop3A_49, %parallel_loop3A_67 : i32
      %parallel_loop3A_69 = arith.index_cast %parallel_loop3A_68 : i32 to index
      %parallel_loop3A_70 = tpu.vector_load %arg5[%parallel_loop3A_69] {strides = array<i32>} : memref<4096xi32, #tpu.memory_space<vmem>>, vector<16xi32>,
      %parallel_loop3A_71 = vector.broadcast %parallel_loop3A_66 : i32 to vector<16xi32>
      %parallel_loop3A_72 = arith.muli %parallel_loop3A_70, %parallel_loop3A_71 : vector<16xi32>
      %parallel_loop3A_73 = arith.constant 0 : i32
      %parallel_loop3A_74 = vector.broadcast %parallel_loop3A_73 : i32 to vector<16xi32>
      %parallel_loop3A_75 = arith.addi %parallel_loop3A_72, %parallel_loop3A_74 : vector<16xi32>
      %parallel_loop3A_76 = tpu.vector_load_idx %arg6[%parallel_loop3A_75] : memref<243xf32, #tpu.memory_space<vmem>>[vector<16xi32>], vector<16xf32>,
      %parallel_loop3A_77 = arith.constant 16 : i32
      %parallel_loop3A_78 = arith.muli %parallel_loop3A_49, %parallel_loop3A_77 : i32
      %parallel_loop3A_79 = arith.constant 0 : i32
      %parallel_loop3A_80 = arith.addi %parallel_loop3A_79, %parallel_loop3A_78 : i32
      %parallel_loop3A_81 = arith.index_cast %parallel_loop3A_80 : i32 to index
      %parallel_loop3A_82 = tpu.vector_load %arg7[%parallel_loop3A_81] {strides = array<i32>} : memref<12288xf32, #tpu.memory_space<vmem>>, vector<16xf32>,
      tpu.vector_store %arg7[%parallel_loop3A_81], %parallel_loop3A_76 {strides = array<i32>} : memref<12288xf32, #tpu.memory_space<vmem>>, vector<16xf32>,
      %parallel_loop3A_83 = arith.constant 81 : i32
      %parallel_loop3A_84 = vector.broadcast %parallel_loop3A_83 : i32 to vector<16xi32>
      %parallel_loop3A_85 = arith.addi %parallel_loop3A_72, %parallel_loop3A_84 : vector<16xi32>
      %parallel_loop3A_86 = tpu.vector_load_idx %arg6[%parallel_loop3A_85] : memref<243xf32, #tpu.memory_space<vmem>>[vector<16xi32>], vector<16xf32>,
      %parallel_loop3A_87 = arith.constant 16 : i32
      %parallel_loop3A_88 = arith.muli %parallel_loop3A_49, %parallel_loop3A_87 : i32
      %parallel_loop3A_89 = arith.constant 4096 : i32
      %parallel_loop3A_90 = arith.addi %parallel_loop3A_89, %parallel_loop3A_88 : i32
      %parallel_loop3A_91 = arith.index_cast %parallel_loop3A_90 : i32 to index
      %parallel_loop3A_92 = tpu.vector_load %arg7[%parallel_loop3A_91] {strides = array<i32>} : memref<12288xf32, #tpu.memory_space<vmem>>, vector<16xf32>,
      tpu.vector_store %arg7[%parallel_loop3A_91], %parallel_loop3A_86 {strides = array<i32>} : memref<12288xf32, #tpu.memory_space<vmem>>, vector<16xf32>,
      %parallel_loop3A_93 = arith.constant 162 : i32
      %parallel_loop3A_94 = vector.broadcast %parallel_loop3A_93 : i32 to vector<16xi32>
      %parallel_loop3A_95 = arith.addi %parallel_loop3A_72, %parallel_loop3A_94 : vector<16xi32>
      %parallel_loop3A_96 = tpu.vector_load_idx %arg6[%parallel_loop3A_95] : memref<243xf32, #tpu.memory_space<vmem>>[vector<16xi32>], vector<16xf32>,
      %parallel_loop3A_97 = arith.constant 16 : i32
      %parallel_loop3A_98 = arith.muli %parallel_loop3A_49, %parallel_loop3A_97 : i32
      %parallel_loop3A_99 = arith.constant 8192 : i32
      %parallel_loop3A_100 = arith.addi %parallel_loop3A_99, %parallel_loop3A_98 : i32
      %parallel_loop3A_101 = arith.index_cast %parallel_loop3A_100 : i32 to index
      %parallel_loop3A_102 = tpu.vector_load %arg7[%parallel_loop3A_101] {strides = array<i32>} : memref<12288xf32, #tpu.memory_space<vmem>>, vector<16xf32>,
      tpu.vector_store %arg7[%parallel_loop3A_101], %parallel_loop3A_96 {strides = array<i32>} : memref<12288xf32, #tpu.memory_space<vmem>>, vector<16xf32>,
    } {sc.loop_unroll_factor = 8 : i64, sc.parallel_access}
    %add3A_7 = arith.constant 0 : i32
    %add3A_8 = arith.addi %add3A_7, %mul3A_2 : i32
    %dma_start3A_9 = arith.constant 0 : i32
    %dma_start3A_10 = tpu.memref_slice %arg7[%dma_start3A_9] : memref<12288xf32, #tpu.memory_space<vmem>> -> memref<4096xf32, #tpu.memory_space<vmem>>
    %dma_start3A_11 = tpu.memref_slice %arg4[%add3A_8] : memref<196608xf32, #tpu.memory_space<hbm>> -> memref<4096xf32, #tpu.memory_space<hbm>>
    %dma_start3A_12 = tpu.memref_slice %arg4[%add3A_8] : memref<196608xf32, #tpu.memory_space<hbm>> -> memref<4096xf32, #tpu.memory_space<hbm>>
    %dma_start3A_13 = arith.constant 0 : i32
    %dma_start3A_14 = tpu.memref_slice %arg7[%dma_start3A_13] : memref<12288xf32, #tpu.memory_space<vmem>> -> memref<4096xf32, #tpu.memory_space<vmem>>
    tpu.enqueue_dma source(%dma_start3A_14 : memref<4096xf32, #tpu.memory_space<vmem>>) target(%dma_start3A_12 : memref<4096xf32, #tpu.memory_space<hbm>>) target_semaphore(%arg8 : memref<!tpu.dma_semaphore, #tpu.memory_space<semaphore_mem>>)
    %add3A_15 = arith.constant 65536 : i32
    %add3A_16 = arith.addi %add3A_15, %mul3A_2 : i32
    %dma_start3A_17 = arith.constant 4096 : i32
    %dma_start3A_18 = tpu.memref_slice %arg7[%dma_start3A_17] : memref<12288xf32, #tpu.memory_space<vmem>> -> memref<4096xf32, #tpu.memory_space<vmem>>
    %dma_start3A_19 = tpu.memref_slice %arg4[%add3A_16] : memref<196608xf32, #tpu.memory_space<hbm>> -> memref<4096xf32, #tpu.memory_space<hbm>>
    %dma_start3A_20 = tpu.memref_slice %arg4[%add3A_16] : memref<196608xf32, #tpu.memory_space<hbm>> -> memref<4096xf32, #tpu.memory_space<hbm>>
    %dma_start3A_21 = arith.constant 4096 : i32
    %dma_start3A_22 = tpu.memref_slice %arg7[%dma_start3A_21] : memref<12288xf32, #tpu.memory_space<vmem>> -> memref<4096xf32, #tpu.memory_space<vmem>>
    tpu.enqueue_dma source(%dma_start3A_22 : memref<4096xf32, #tpu.memory_space<vmem>>) target(%dma_start3A_20 : memref<4096xf32, #tpu.memory_space<hbm>>) target_semaphore(%arg9 : memref<!tpu.dma_semaphore, #tpu.memory_space<semaphore_mem>>)
    %add3A_23 = arith.constant 131072 : i32
    %add3A_24 = arith.addi %add3A_23, %mul3A_2 : i32
    %dma_start3A_25 = arith.constant 8192 : i32
    %dma_start3A_26 = tpu.memref_slice %arg7[%dma_start3A_25] : memref<12288xf32, #tpu.memory_space<vmem>> -> memref<4096xf32, #tpu.memory_space<vmem>>
    %dma_start3A_27 = tpu.memref_slice %arg4[%add3A_24] : memref<196608xf32, #tpu.memory_space<hbm>> -> memref<4096xf32, #tpu.memory_space<hbm>>
    %dma_start3A_28 = tpu.memref_slice %arg4[%add3A_24] : memref<196608xf32, #tpu.memory_space<hbm>> -> memref<4096xf32, #tpu.memory_space<hbm>>
    %dma_start3A_29 = arith.constant 8192 : i32
    %dma_start3A_30 = tpu.memref_slice %arg7[%dma_start3A_29] : memref<12288xf32, #tpu.memory_space<vmem>> -> memref<4096xf32, #tpu.memory_space<vmem>>
    tpu.enqueue_dma source(%dma_start3A_30 : memref<4096xf32, #tpu.memory_space<vmem>>) target(%dma_start3A_28 : memref<4096xf32, #tpu.memory_space<hbm>>) target_semaphore(%arg10 : memref<!tpu.dma_semaphore, #tpu.memory_space<semaphore_mem>>)
    %dma_wait3A_31 = arith.constant 0 : i32
    %dma_wait3A_32 = tpu.memref_slice %arg7[%dma_wait3A_31] : memref<12288xf32, #tpu.memory_space<vmem>> -> memref<4096xf32, #tpu.memory_space<vmem>>
    %dma_wait3A_33 = tpu.memref_slice %arg4[%add3A_8] : memref<196608xf32, #tpu.memory_space<hbm>> -> memref<4096xf32, #tpu.memory_space<hbm>>
    %dma_wait3A_34 = tpu.memref_slice %arg4[%add3A_8] : memref<196608xf32, #tpu.memory_space<hbm>> -> memref<4096xf32, #tpu.memory_space<hbm>>
    %dma_wait3A_35 = arith.constant 0 : i32
    %dma_wait3A_36 = tpu.memref_slice %arg7[%dma_wait3A_35] : memref<12288xf32, #tpu.memory_space<vmem>> -> memref<4096xf32, #tpu.memory_space<vmem>>
    tpu.wait_dma2 semaphore(%arg8 : memref<!tpu.dma_semaphore, #tpu.memory_space<semaphore_mem>>) src(%dma_wait3A_36 : memref<4096xf32, #tpu.memory_space<vmem>>) dst(%dma_wait3A_34 : memref<4096xf32, #tpu.memory_space<hbm>>)
    %dma_wait3A_37 = arith.constant 4096 : i32
    %dma_wait3A_38 = tpu.memref_slice %arg7[%dma_wait3A_37] : memref<12288xf32, #tpu.memory_space<vmem>> -> memref<4096xf32, #tpu.memory_space<vmem>>
    %dma_wait3A_39 = tpu.memref_slice %arg4[%add3A_16] : memref<196608xf32, #tpu.memory_space<hbm>> -> memref<4096xf32, #tpu.memory_space<hbm>>
    %dma_wait3A_40 = tpu.memref_slice %arg4[%add3A_16] : memref<196608xf32, #tpu.memory_space<hbm>> -> memref<4096xf32, #tpu.memory_space<hbm>>
    %dma_wait3A_41 = arith.constant 4096 : i32
    %dma_wait3A_42 = tpu.memref_slice %arg7[%dma_wait3A_41] : memref<12288xf32, #tpu.memory_space<vmem>> -> memref<4096xf32, #tpu.memory_space<vmem>>
    tpu.wait_dma2 semaphore(%arg9 : memref<!tpu.dma_semaphore, #tpu.memory_space<semaphore_mem>>) src(%dma_wait3A_42 : memref<4096xf32, #tpu.memory_space<vmem>>) dst(%dma_wait3A_40 : memref<4096xf32, #tpu.memory_space<hbm>>)
    %dma_wait3A_43 = arith.constant 8192 : i32
    %dma_wait3A_44 = tpu.memref_slice %arg7[%dma_wait3A_43] : memref<12288xf32, #tpu.memory_space<vmem>> -> memref<4096xf32, #tpu.memory_space<vmem>>
    %dma_wait3A_45 = tpu.memref_slice %arg4[%add3A_24] : memref<196608xf32, #tpu.memory_space<hbm>> -> memref<4096xf32, #tpu.memory_space<hbm>>
    %dma_wait3A_46 = tpu.memref_slice %arg4[%add3A_24] : memref<196608xf32, #tpu.memory_space<hbm>> -> memref<4096xf32, #tpu.memory_space<hbm>>
    %dma_wait3A_47 = arith.constant 8192 : i32
    %dma_wait3A_48 = tpu.memref_slice %arg7[%dma_wait3A_47] : memref<12288xf32, #tpu.memory_space<vmem>> -> memref<4096xf32, #tpu.memory_space<vmem>>
    tpu.wait_dma2 semaphore(%arg10 : memref<!tpu.dma_semaphore, #tpu.memory_space<semaphore_mem>>) src(%dma_wait3A_48 : memref<4096xf32, #tpu.memory_space<vmem>>) dst(%dma_wait3A_46 : memref<4096xf32, #tpu.memory_space<hbm>>)
    return
  }
}

</mosaic_0001>

<sc_bundles>
// kernel: kernel.3.cloned.1.call-start
scs
__scs_entry_jumppad:
0x0: {  	(pc) =	sbr.rel $0x88, $3  }
0x1: {  	(tag) =	ssettag $0x0;
	lr =	simm.s32 $0x1  }
0x2: {  	[smem:$0x3F9F] =	sst lr;
	_ =	strace $0xD0000000  }
0x3: {  	_ = 	snop  }
0x4: {  	_ = 	snop  }
0x5: {  	_ = 	snop  }
0x6: {  	_ = 	snop  }
0x7: {  	_ = 	snop  }
__scs_overlays_trampoline_lowered:
0x8: {  	[smem:$0x3FAE] =	sst s0  }
0x9: {  	[smem:$0x3FAF] =	sst s1  }
0xa: {  	[smem:$0x3FB0] =	sst s2  }
0xb: {  	[smem:$0x3FB1] =	sst s3  }
0xc: {  	[smem:$0x3FB2] =	sst s4  }
0xd: {  	[smem:$0x3FB3] =	sst s5  }
0xe: {  	[smem:$0x3FB4] =	sst s6  }
0xf: {  	[smem:$0x3FB5] =	sst s7  }
0x10: {  	[smem:$0x3FB6] =	sst s8  }
0x11: {  	[smem:$0x3FB7] =	sst s9;
	s0 =	simm.s32 @!p0 $0x0  }
0x12: {  	s1 =	sld [smem:$0x3F9D];
	s0 =	simm.s32 @p0 $0x1  }
0x13: {  	[smem:$0x3FB8] =	sst s0;
	s0 =	simm.s32 @!p1 $0x0  }
0x14: {  	s2 =	sld [smem:$0x3F9C];
	s0 =	simm.s32 @p1 $0x1  }
0x15: {  	[smem:$0x3FB9] =	sst s0;
	s0 =	simm.s32 @!p2 $0x0  }
0x16: {  	s3 =	sld [smem:$0x3FDB];
	s0 =	simm.s32 @p2 $0x1  }
0x17: {  	s4 =	simm.s32 $0x1BF5;
	[smem:$0x3FBB] =	sst s0  }
0x18: {  	s0 =	sld [smem:$0x3F9E];
	_ =	swait.ge [sflag:s4], $0x0  }
0x19: {  	s7 =	sld [smem:$0x3F9F]  }
0x1a: {  	s8 =	sadd.s32 $0xFFFFE003, lr  }
0x1b: {  	s9 =	sadd.s32 $0xFFFFFEF7, lr;
	s5 =	simm.s32 $0xFFFFFFFF;
	p2 =	slt.u32 s8, $0xFFFFF086  }
0x1c: {  	p1 =	slt.u32 s9, $0xF7A;
	s5 =	simm.s32 @!p2 $0x0  }
0x1d: {  	s5 =	simm.s32 @p1 $0x1;
	p0 =	seq.s32 s7, s2  }
0x1e: {  	s7 =	smul.u32 @!p0 $0xF7A, s2;
	p2 =	seq.s32 @!p0 s5, $0x0  }
0x1f: {  	s9 =	smul.u32 $0xF7A, s1;
	s8 =	simm.s32 @!p0 $0x1BF5;
	p2 =	por !p2, p0  }
0x20: {  	[sflag:s8] =	ssyncset.s32 @!p0 $0xFFFFF086;
	s6 =	sadd.s32 @!p0 s3, s7;
	s7 =	simm.s32 @!p0 $0x108  }
0x21: {  	s3 =	sadd.s32 s3, s9;
	s6 =	sadd.s32 @!p0 $0x88, s6;
	s7 =	simm.s32 @p2 $0x1082  }
0x22: {  	[simem:s7], [sflag:s8] =	dma.local @!p0 [hbm:s6], $0xF7A  }
0x23: {  	s9 =	sor.u32 $0xD0000000, s2;
	s6 =	simm.s32 $0x108;
	_ =	swait.ge @!p0 [sflag:s8], $0x0  }
0x24: {  	s3 =	sadd.s32 $0x88, s3;
	s6 =	simm.s32 @!p1 $0x1082;
	[sflag:s4] =	ssyncset.s32 $0xFFFFF086  }
0x25: {  	[simem:s6], [sflag:s4] =	dma.local [hbm:s3], $0xF7A  }
0x26: {  	[smem:$0x3F9F] =	sst s1;
	(tag) =	ssettag s2;
	_ =	strace s9  }
0x27: {  	s1 =	sld [smem:$0x3FAF]  }
0x28: {  	s2 =	sld [smem:$0x3FB0]  }
0x29: {  	s4 =	sld [smem:$0x3FB2]  }
0x2a: {  	p0 =	seq.s32 s5, $0x0;
	s5 =	sld [smem:$0x3FB3]  }
0x2b: {  	s6 =	sld [smem:$0x3FB4]  }
0x2c: {  	s7 =	sld [smem:$0x3FB5]  }
0x2d: {  	s3 =	simm.s32 $0x108;
	s8 =	sld [smem:$0x3FB6]  }
0x2e: {  	s3 =	simm.s32 @!p0 $0x1082;
	s9 =	sld [smem:$0x3FB7]  }
0x2f: {  	lr =	sadd.s32 s0, s3;
	s0 =	sld [smem:$0x3FAE]  }
0x30: {  	s3 =	sld [smem:$0x3FB1]  }
0x31: {  	[smem:$0x3FBA] =	sst s10  }
0x32: {  	s10 =	sld [smem:$0x3FB8];
	_ =	sdelay $0x3  }
0x33: {  	p0 =	seq.s32 s10, $0x1;
	s10 =	sld [smem:$0x3FBA];
	_ =	sdelay $0x3  }
0x34: {  	[smem:$0x3FBA] =	sst s10  }
0x35: {  	s10 =	sld [smem:$0x3FB9];
	_ =	sdelay $0x3  }
0x36: {  	p1 =	seq.s32 s10, $0x1;
	s10 =	sld [smem:$0x3FBA];
	_ =	sdelay $0x3  }
0x37: {  	[smem:$0x3FBA] =	sst s10  }
0x38: {  	s10 =	sld [smem:$0x3FBB]  }
0x39: {  	_ = 	snop;
	(pc) =	sbr.ind lr, $3  }
0x3a: {  	_ = 	snop  }
0x3b: {  	_ = 	snop  }
0x3c: {  	p2 =	seq.s32 s10, $0x1;
	s10 =	sld [smem:$0x3FBA]  }
0x3d: {  	_ =	shalt  }
0x3e: {  	_ =	shalt  }
0x3f: {  	_ =	shalt  }
0x40: {  	_ =	shalt  }
0x41: {  	_ =	shalt  }
0x42: {  	_ =	shalt  }
0x43: {  	_ =	shalt  }
0x44: {  	_ =	shalt  }
0x45: {  	_ =	shalt  }
0x46: {  	_ =	shalt  }
0x47: {  	_ =	shalt  }
0x48: {  	_ =	shalt  }
0x49: {  	_ =	shalt  }
0x4a: {  	_ =	shalt  }
0x4b: {  	_ =	shalt  }
0x4c: {  	_ =	shalt  }
0x4d: {  	_ =	shalt  }
0x4e: {  	_ =	shalt  }
0x4f: {  	_ =	shalt  }
0x50: {  	_ =	shalt  }
0x51: {  	_ =	shalt  }
0x52: {  	_ =	shalt  }
0x53: {  	_ =	shalt  }
0x54: {  	_ =	shalt  }
0x55: {  	_ =	shalt  }
0x56: {  	_ =	shalt  }
0x57: {  	_ =	shalt  }
0x58: {  	_ =	shalt  }
0x59: {  	_ =	shalt  }
0x5a: {  	_ =	shalt  }
0x5b: {  	_ =	shalt  }
0x5c: {  	_ =	shalt  }
0x5d: {  	_ =	shalt  }
0x5e: {  	_ =	shalt  }
0x5f: {  	_ =	shalt  }
0x60: {  	_ =	shalt  }
0x61: {  	_ =	shalt  }
0x62: {  	_ =	shalt  }
0x63: {  	_ =	shalt  }
0x64: {  	_ =	shalt  }
0x65: {  	_ =	shalt  }
0x66: {  	_ =	shalt  }
0x67: {  	_ =	shalt  }
0x68: {  	_ =	shalt  }
0x69: {  	_ =	shalt  }
0x6a: {  	_ =	shalt  }
0x6b: {  	_ =	shalt  }
0x6c: {  	_ =	shalt  }
0x6d: {  	_ =	shalt  }
0x6e: {  	_ =	shalt  }
0x6f: {  	_ =	shalt  }
0x70: {  	_ =	shalt  }
0x71: {  	_ =	shalt  }
0x72: {  	_ =	shalt  }
0x73: {  	_ =	shalt  }
0x74: {  	_ =	shalt  }
0x75: {  	_ =	shalt  }
0x76: {  	_ =	shalt  }
0x77: {  	_ =	shalt  }
0x78: {  	_ =	shalt  }
0x79: {  	_ =	shalt  }
0x7a: {  	_ =	shalt  }
0x7b: {  	_ =	shalt  }
0x7c: {  	_ =	shalt  }
0x7d: {  	_ =	shalt  }
0x7e: {  	_ =	shalt  }
0x7f: {  	_ =	shalt  }
0x80: {  	_ =	shalt  }
0x81: {  	_ =	shalt  }
0x82: {  	_ =	shalt  }
0x83: {  	_ =	shalt  }
0x84: {  	_ =	shalt  }
0x85: {  	_ =	shalt  }
0x86: {  	_ =	shalt  }
0x87: {  	_ =	shalt  }
.Lfunc_end0:
.L_simem_size_0:
called_computation_lowered:
.L_overlay_start_0:
0x88: {  	s0 =	sld [smem:$0x3FD9]  }
0x89: {  	s1 =	sld [smem:$0x3FFE];
	_ =	sdelay $0x3  }
0x8a: {  	s0 =	sadd.s32 s1, s0  }
0x8b: {  	[smem:$0x3FC6] =	sst s0  }
0x8c: {  	_ = 	snop  }
0x8d: {  	s0 =	sld [smem:$0x3FC9]  }
0x8e: {  	s16 =	sld [smem:$0x3FD0];
	(tm) =	ssettm $0x1  }
0x8f: {  	s2 =	sld [smem:$0x3FFB];
	_ =	sdelay $0x3  }
0x90: {  	_ =	strace s2  }
0x91: {  	s2 =	sld [smem:$0x3FFC];
	_ =	sdelay $0x3  }
0x92: {  	_ =	strace s2  }
0x93: {  	s2 =	sld [smem:$0x3FFD];
	_ =	sdelay $0x3  }
0x94: {  	_ =	strace s2  }
0x95: {  	_ =	strace $0x8FFFFFFF  }
0x96: {  	s17 =	sld [smem:$0x3FDB];
	_ =	sdelay $0x1  }
0x97: {  	s3 =	simm.s32 $_scs_section_size  }
0x98: {  	s4 =	simm.s32 $_size__tile_overlayer_lowered;
	s5 =	simm.s32 $_tile_overlayer_lowered  }
0x99: {  	s20 =	simm.s32 $0x1BFF;
	s19 =	sshll.u32 s5, $0x1;
	s2 =	sadd.s32 s3, s17  }
0x9a: {  	s6 =	simm.s32 $0x0;
	s18 =	sshll.u32 s4, $0x1;
	s4 =	sadd.s32 s19, s2  }
0x9b: {  	[timem:s6], [sflag:s20] =	dma.local [hbm:s4], s18  }
0x9c: {  	_ =	swait.ge [sflag:s20], s18  }
0x9d: {  	s3 =	ssub.s32 $0x0, s18;
	[sflag:s20] =	ssyncset.done $0x0  }
0x9e: {  	[sflag:s20] =	ssyncadd.s32 s3;
	_ =	sdelay $0x1  }
0x9f: {  	s21 =	simm.s32 $0x1B8B  }
0xa0: {  	_ =	swait.ge [sflag:s21], $0x1  }
0xa1: {  	[sflag:s21] =	ssyncset.done $0x0  }
0xa2: {  	s23 =	simm.s32 $0x1B8E;
	s22 =	sld [smem:$0x3FFE];
	[sflag:s21] =	ssyncadd.s32 $0xFFFFFFFF  }
0xa3: {  	s24 =	simm.s32 $execute0_lowered;
	[smem:$0x3FD2] =	sst s23  }
0xa4: {  	s4 =	sshll.u32 s24, $0x1;
	_ =	strace $0x80000046;
	[dreg:$0x1] =	wrdreg $0xFFFFFFFF  }
0xa5: {  	s25 =	simm.s32 $_size_execute0_lowered;
	s2 =	sadd.s32 s2, s4;
	[dreg:$0x0] =	wrdreg $0x0  }
0xa6: {  	s4 =	sshll.u32 s25, $0x1;
	[dreg:$0x2] =	wrdreg s2  }
0xa7: {  	[dreg:$0x3] =	wrdreg s4  }
0xa8: {  	[dreg:$0x4] =	wrdreg $0xC0  }
0xa9: {  	_ =	task [dreg:s6], $0x5FFFF  }
0xaa: {  	[dreg:$0x1] =	wrdreg $0xFFFFFFFF  }
0xab: {  	[dreg:$0x0] =	wrdreg $0x60  }
0xac: {  	[dreg:$0x2] =	wrdreg s0  }
0xad: {  	[dreg:$0x3] =	wrdreg s22  }
0xae: {  	[dreg:$0x4] =	wrdreg s16  }
0xaf: {  	[dreg:$0x5] =	wrdreg $0x9  }
0xb0: {  	_ =	task.clear_ibuf [dreg:s6], $0x6FFFF;
	_ =	strace $0x90000046  }
0xb1: {  	s26 =	simm.s32 $0x9;
	_ =	strace $0x80000048  }
0xb2: {  	_ =	swait.ge [sflag:s26], $0x1  }
0xb3: {  	[sflag:s26] =	ssyncadd.s32 $0xFFFFFFFF  }
0xb4: {  	_ =	strace $0x90000048  }
0xb5: {  	_ =	sfence  }
0xb6: {  	s28 =	sld [smem:$0x0];
	_ =	sdelay $0x1  }
0xb7: {  	s29 =	srdreg.scid  }
0xb8: {  	s30 =	sshll.u32 s29, $0xD;
	s31 =	sshrl.u32 s29, $0x2  }
0xb9: {  	s1 =	sand.u32 $0x1, s29;
	s2 =	sand.u32 $0x4000, s30;
	s0 =	sadd.s32 s31, s28  }
0xba: {  	s1 =	sor.u32 s2, s1;
	s0 =	sshll.u32 s0, $0x11  }
0xbb: {  	s0 =	sor.u32 s0, s1  }
0xbc: {  	s0 =	sadd.s32 $0x8F2B, s0  }
0xbd: {  	[sflag:s0] =	ssyncadd.remote.s32 $0x1  }
0xbe: {  	_ =	sfence.sel $0xFFFF  }
0xbf: {  	[dreg:$0x0] =	wrdreg $0xFFFFFFFF;
	(pc) =	sbr.abs _section_cstart, $3  }
0xc0: {  	[dreg:$0x1] =	wrdreg $0xFFFFFFFF  }
0xc1: {  	_ =	task.clear_ibuf [dreg:s6], $0x2FFFF;
	_ =	strace $0x9FFFFFFF  }
0xc2: {  	(tm) =	ssettm $0x7FFFFFFF  }
0xc3: {  	_ =	shalt  }
tec
execute0_lowered:
.L_overlay_start_1:
0x0: {  	(tag) =	ssettag $0x1  }
0x1: {  	s4 =	rddreg [dreg:$0x0]  }
0x2: {  	s5 =	rddreg [dreg:$0x1]  }
0x3: {  	s2 =	rddreg [dreg:$0x2];
	s6 =	simm.s32 $0x0;
	s1 =	stileid.u32  }
0x4: {  	[smem:$0x7FF] =	sst s6;
	s3 =	sshll.u32 s1, $0x9  }
0x5: {  	s0 =	rddreg [dreg:$0x3];
	_ =	strace $0x80000047;
	s4 =	sadd.s32 s4, s3  }
0x6: {  	[tilespmem:s6], [sflag:$0x1] =	stream.linear.gather [hbm4b:s4+s6], $0x1000, $0x38;
	[tilespmem:$0x4100] =	vst v63  }
0x7: {  	s29 =	simm.s32 $0x1;
	s5 =	sadd.s32 $0x600, s5;
	s4 =	simm.s32 $0x1000  }
0x8: {  	[tilespmem:s4], [sflag:$0x2] =	stream.linear.gather [hbm4b:s5+s6], $0x100, $0x38;
	[tilespmem:$0x4100] =	vst v63  }
0x9: {  	_ =	swait.ge [sflag:s29], $0x1000  }
0xa: {  	[sflag:s29] =	ssyncset.done $0x0  }
0xb: {  	s30 =	simm.s32 $0x2;
	[sflag:s29] =	ssyncadd.s32 $0xFFFFF000  }
0xc: {  	_ =	swait.ge [sflag:s30], $0x100  }
0xd: {  	[sflag:s30] =	ssyncset.done $0x0  }
0xe: {  	s31 =	simm.s32 $0x40;
	[sflag:s30] =	ssyncadd.s32 $0xFFFFFF00  }
0xf: {  	s6 =	sand.u32 $0x3, s6;
	v0 =	vld [tilespmem:s31+$0x30]  }
0x10: {  	s7 =	simm.s32 $0x9;
	p0 =	seq.s32 s6, $0x2;
	v1 =	vld [tilespmem:s31+$0xFFFFFFC0]  }
0x11: {  	p1 =	seq.s32 s6, $0x1;
	s7 =	simm.s32 @!p0 $0x1B;
	v2 =	vld [tilespmem:s31+$0xFFFFFFD0]  }
0x12: {  	p0 =	seq.s32 s6, $0x0;
	s7 =	simm.s32 @p1 $0x3;
	v3 =	vld [tilespmem:s31+$0xFFFFFFE0]  }
0x13: {  	s7 =	simm.s32 @p0 $0x1;
	v4 =	vld [tilespmem:s31+$0xFFFFFFF0]  }
0x14: {  	v5 =	vld [tilespmem:s31+$0x0];
	v0 =	vmul.u32 s7, v0  }
0x15: {  	v6 =	vld [tilespmem:s31+$0x10];
	v1 =	vmul.u32 s7, v1  }
0x16: {  	v7 =	vld [tilespmem:s31+$0x20];
	v2 =	vmul.u32 s7, v2  }
0x17: {  	v3 =	vmul.u32 s7, v3  }
0x18: {  	v4 =	vmul.u32 s7, v4  }
0x19: {  	v9 =	vmul.u32 s7, v5  }
0x1a: {  	v6 =	vmul.u32 s7, v6;
	v5 =	vld.idx.msk [tilespmem:v0+s4+$0x0], $0xffff  }
0x1b: {  	v10 =	vmul.u32 s7, v7;
	v8 =	vld.idx.msk [tilespmem:v1+s4+$0x0], $0xffff  }
0x1c: {  	v7 =	vld.idx.msk [tilespmem:v2+s4+$0x0], $0xffff  }
0x1d: {  	v11 =	vadd.s32 $0x51, v0;
	v12 =	vld.idx.msk [tilespmem:v3+s4+$0x0], $0xffff  }
0x1e: {  	v13 =	vadd.s32 $0x51, v1;
	v14 =	vld.idx.msk [tilespmem:v4+s4+$0x0], $0xffff  }
0x1f: {  	s5 =	simm.s32 $0x2140;
	v15 =	vadd.s32 $0x51, v2;
	v16 =	vld.idx.msk [tilespmem:v9+s4+$0x0], $0xffff  }
0x20: {  	v17 =	vadd.s32 $0x51, v3;
	v18 =	vld.idx.msk [tilespmem:v6+s4+$0x0], $0xffff;
	[tilespmem:s5+$0xFFFFF030] =	vst v5  }
0x21: {  	v5 =	vadd.s32 $0x51, v4;
	[tilespmem:s5+$0xFFFFEFD0] =	vst v7;
	v7 =	vld.idx.msk [tilespmem:v10+s4+$0x0], $0xffff  }
0x22: {  	[tilespmem:s5+$0xFFFFEFC0] =	vst v8;
	v8 =	vld.idx.msk [tilespmem:v11+s4+$0x0], $0xffff;
	v11 =	vadd.s32 $0x51, v9  }
0x23: {  	v60 =	vadd.s32 $0x51, v6;
	[tilespmem:s5+$0xFFFFEFE0] =	vst v12;
	v13 =	vld.idx.msk [tilespmem:v13+s4+$0x0], $0xffff  }
0x24: {  	v0 =	vadd.s32 $0xA2, v0;
	[tilespmem:s5+$0xFFFFEFF0] =	vst v14;
	v15 =	vld.idx.msk [tilespmem:v15+s4+$0x0], $0xffff  }
0x25: {  	v61 =	vadd.s32 $0x51, v10;
	[tilespmem:s5+$0xFFFFF000] =	vst v16;
	v17 =	vld.idx.msk [tilespmem:v17+s4+$0x0], $0xffff  }
0x26: {  	v1 =	vadd.s32 $0xA2, v1;
	[tilespmem:s5+$0xFFFFF010] =	vst v18;
	v62 =	vld.idx.msk [tilespmem:v5+s4+$0x0], $0xffff  }
0x27: {  	v2 =	vadd.s32 $0xA2, v2;
	[tilespmem:s5+$0xFFFFF020] =	vst v7;
	v11 =	vld.idx.msk [tilespmem:v11+s4+$0x0], $0xffff  }
0x28: {  	v3 =	vadd.s32 $0xA2, v3;
	[tilespmem:s5+$0x30] =	vst v8;
	v8 =	vld.idx.msk [tilespmem:v60+s4+$0x0], $0xffff  }
0x29: {  	v19 =	vadd.s32 $0xA2, v4;
	[tilespmem:s5+$0xFFFFFFC0] =	vst v13;
	v63 =	vld.idx.msk [tilespmem:v0+s4+$0x0], $0xffff  }
0x2a: {  	[tilespmem:s5+$0xFFFFFFD0] =	vst v15;
	v7 =	vld.idx.msk [tilespmem:v61+s4+$0x0], $0xffff  }
0x2b: {  	[tilespmem:s5+$0xFFFFFFE0] =	vst v17;
	v5 =	vld.idx.msk [tilespmem:v1+s4+$0x0], $0xffff  }
0x2c: {  	v4 =	vld.idx.msk [tilespmem:v2+s4+$0x0], $0xffff;
	[tilespmem:s5+$0xFFFFFFF0] =	vst v62  }
0x2d: {  	v3 =	vld.idx.msk [tilespmem:v3+s4+$0x0], $0xffff;
	[tilespmem:s5+$0x0] =	vst v11  }
0x2e: {  	s8 =	simm.s32 $0xC0;
	s6 =	simm.s32 $0x0;
	s7 =	simm.s32 $0x1;
	v2 =	vadd.s32 $0xA2, v9;
	v1 =	vadd.s32 $0xA2, v6;
	v0 =	vadd.s32 $0xA2, v10;
	v6 =	vld.idx.msk [tilespmem:v19+s4+$0x0], $0xffff;
	[tilespmem:s5+$0x1030] =	vst v63  }
.LBB2_1:
0x2f: {  	s9 =	sand.u32 $0x3, s7;
	v9 =	vld [tilespmem:s8+$0x30];
	s6 =	sadd.s32 $0x8, s6;
	[tilespmem:s5+$0x10] =	vst v8  }
0x30: {  	s10 =	simm.s32 $0x9;
	p1 =	seq.s32 s9, $0x2;
	v8 =	vld [tilespmem:s8+$0xFFFFFFC0];
	p0 =	slt.u32 s6, $0xF8;
	[tilespmem:s5+$0x20] =	vst v7  }
0x31: {  	p2 =	seq.s32 s9, $0x1;
	s10 =	simm.s32 @!p1 $0x1B;
	v7 =	vld [tilespmem:s8+$0xFFFFFFD0];
	[tilespmem:s5+$0xFC0] =	vst v5  }
0x32: {  	p1 =	seq.s32 s9, $0x0;
	s10 =	simm.s32 @p2 $0x3;
	v5 =	vld [tilespmem:s8+$0xFFFFFFE0];
	[tilespmem:s5+$0xFD0] =	vst v4  }
0x33: {  	s10 =	simm.s32 @p1 $0x1;
	v4 =	vld [tilespmem:s8+$0xFFFFFFF0];
	[tilespmem:s5+$0xFE0] =	vst v3  }
0x34: {  	v3 =	vld [tilespmem:s8+$0x0];
	v9 =	vmul.u32 s10, v9;
	[tilespmem:s5+$0xFF0] =	vst v6  }
0x35: {  	v6 =	vmul.u32 s10, v8;
	v8 =	vld [tilespmem:s8+$0x10]  }
0x36: {  	v7 =	vmul.u32 s10, v7;
	v10 =	vld [tilespmem:s8+$0x20]  }
0x37: {  	v11 =	vadd.s32 $0x51, v6;
	v12 =	vadd.s32 $0xA2, v6;
	v5 =	vmul.u32 s10, v5;
	v13 =	vld.idx.msk [tilespmem:v2+s4+$0x0], $0xffff  }
0x38: {  	v14 =	vadd.s32 $0x51, v7;
	v15 =	vadd.s32 $0xA2, v7;
	v4 =	vmul.u32 s10, v4;
	v16 =	vld.idx.msk [tilespmem:v1+s4+$0x0], $0xffff  }
0x39: {  	v17 =	vadd.s32 $0x51, v5;
	v18 =	vadd.s32 $0xA2, v5;
	v3 =	vmul.u32 s10, v3;
	v19 =	vld.idx.msk [tilespmem:v0+s4+$0x0], $0xffff  }
0x3a: {  	v20 =	vadd.s32 $0x51, v4;
	v21 =	vadd.s32 $0xA2, v4;
	v8 =	vmul.u32 s10, v8;
	v22 =	vld.idx.msk [tilespmem:v9+s4+$0x0], $0xffff  }
0x3b: {  	v6 =	vld.idx.msk [tilespmem:v6+s4+$0x0], $0xffff;
	v23 =	vadd.s32 $0x51, v3;
	v2 =	vadd.s32 $0xA2, v3;
	v10 =	vmul.u32 s10, v10  }
0x3c: {  	v25 =	vadd.s32 $0x51, v9;
	v7 =	vld.idx.msk [tilespmem:v7+s4+$0x0], $0xffff;
	v24 =	vadd.s32 $0x51, v8;
	v1 =	vadd.s32 $0xA2, v8  }
0x3d: {  	v5 =	vld.idx.msk [tilespmem:v5+s4+$0x0], $0xffff;
	v26 =	vadd.s32 $0x51, v10;
	v0 =	vadd.s32 $0xA2, v10;
	[tilespmem:s5+$0x1000] =	vst v13  }
0x3e: {  	v4 =	vld.idx.msk [tilespmem:v4+s4+$0x0], $0xffff;
	[tilespmem:s5+$0x1010] =	vst v16  }
0x3f: {  	v3 =	vld.idx.msk [tilespmem:v3+s4+$0x0], $0xffff;
	[tilespmem:s5+$0x1020] =	vst v19;
	s5 =	sadd.s32 $0x80, s5  }
0x40: {  	v8 =	vld.idx.msk [tilespmem:v8+s4+$0x0], $0xffff;
	[tilespmem:s5+$0xFFFFF030] =	vst v22  }
0x41: {  	[tilespmem:s5+$0xFFFFEFC0] =	vst v6;
	v6 =	vld.idx.msk [tilespmem:v25+s4+$0x0], $0xffff  }
0x42: {  	[tilespmem:s5+$0xFFFFEFD0] =	vst v7;
	v7 =	vld.idx.msk [tilespmem:v10+s4+$0x0], $0xffff  }
0x43: {  	v10 =	vld.idx.msk [tilespmem:v11+s4+$0x0], $0xffff;
	[tilespmem:s5+$0xFFFFEFE0] =	vst v5;
	v5 =	vadd.s32 $0xA2, v9  }
0x44: {  	v9 =	vld.idx.msk [tilespmem:v14+s4+$0x0], $0xffff;
	[tilespmem:s5+$0xFFFFEFF0] =	vst v4  }
0x45: {  	v4 =	vld.idx.msk [tilespmem:v17+s4+$0x0], $0xffff;
	[tilespmem:s5+$0xFFFFF000] =	vst v3  }
0x46: {  	v3 =	vld.idx.msk [tilespmem:v20+s4+$0x0], $0xffff;
	[tilespmem:s5+$0xFFFFF010] =	vst v8  }
0x47: {  	v11 =	vld.idx.msk [tilespmem:v23+s4+$0x0], $0xffff;
	[tilespmem:s5+$0x30] =	vst v6  }
0x48: {  	[tilespmem:s5+$0xFFFFF020] =	vst v7;
	v13 =	vld.idx.msk [tilespmem:v5+s4+$0x0], $0xffff  }
0x49: {  	[tilespmem:s5+$0xFFFFFFC0] =	vst v10;
	v8 =	vld.idx.msk [tilespmem:v24+s4+$0x0], $0xffff  }
.Ltmp0:
0x4a: {  	[tilespmem:s5+$0xFFFFFFD0] =	vst v9;
	v7 =	vld.idx.msk [tilespmem:v26+s4+$0x0], $0xffff;
	(pc) =	sbr.rel @p0 .LBB2_1-.Ltmp0, $4  }
0x4b: {  	v5 =	vld.idx.msk [tilespmem:v12+s4+$0x0], $0xffff;
	[tilespmem:s5+$0xFFFFFFE0] =	vst v4  }
0x4c: {  	v4 =	vld.idx.msk [tilespmem:v15+s4+$0x0], $0xffff;
	[tilespmem:s5+$0xFFFFFFF0] =	vst v3  }
0x4d: {  	v3 =	vld.idx.msk [tilespmem:v18+s4+$0x0], $0xffff;
	[tilespmem:s5+$0x0] =	vst v11  }
0x4e: {  	s7 =	sadd.s32 $0x1, s7;
	s8 =	sadd.s32 $0x80, s8;
	v6 =	vld.idx.msk [tilespmem:v21+s4+$0x0], $0xffff;
	[tilespmem:s5+$0x1030] =	vst v13  }
0x4f: {  	_ =	sdelay $0x2  }
0x50: {  	[tilespmem:s5+$0x10] =	vst v8  }
0x51: {  	[tilespmem:s5+$0x20] =	vst v7;
	v2 =	vld.idx.msk [tilespmem:v2+s4+$0x0], $0xffff  }
0x52: {  	[tilespmem:s5+$0xFC0] =	vst v5;
	v1 =	vld.idx.msk [tilespmem:v1+s4+$0x0], $0xffff  }
0x53: {  	v0 =	vld.idx.msk [tilespmem:v0+s4+$0x0], $0xffff;
	[tilespmem:s5+$0xFD0] =	vst v4  }
0x54: {  	[tilespmem:s5+$0xFE0] =	vst v3  }
0x55: {  	[tilespmem:s5+$0xFF0] =	vst v6  }
0x56: {  	[tilespmem:s5+$0x1000] =	vst v2  }
0x57: {  	[tilespmem:s5+$0x1010] =	vst v1  }
0x58: {  	s2 =	sadd.s32 s2, s3;
	s23 =	simm.s32 $0x0;
	s24 =	simm.s32 $0x1100;
	[tilespmem:s5+$0x1020] =	vst v0  }
0x59: {  	[hbm4b:s2+s23] =	stream.linear.scatter [tilespmem:s24], [sflag:$0x1], $0x1000, $0x38;
	[tilespmem:$0x4100] =	vst v63  }
0x5a: {  	s26 =	simm.s32 $0x2100;
	s25 =	sadd.s32 $0x2000, s2  }
0x5b: {  	[hbm4b:s25+s23] =	stream.linear.scatter [tilespmem:s26], [sflag:$0x2], $0x1000, $0x38;
	[tilespmem:$0x4100] =	vst v63  }
0x5c: {  	s28 =	simm.s32 $0x3100;
	s29 =	simm.s32 $0x1;
	s2 =	sadd.s32 $0x4000, s2  }
0x5d: {  	[hbm4b:s2+s23] =	stream.linear.scatter [tilespmem:s28], [sflag:$0x3], $0x1000, $0x38;
	[tilespmem:$0x4100] =	vst v63  }
0x5e: {  	_ =	swait.ge [sflag:s29], $0x1000  }
0x5f: {  	[sflag:s29] =	ssyncset.done $0x0  }
0x60: {  	s30 =	simm.s32 $0x2;
	[sflag:s29] =	ssyncadd.s32 $0xFFFFF000  }
0x61: {  	_ =	swait.ge [sflag:s30], $0x1000  }
0x62: {  	[sflag:s30] =	ssyncset.done $0x0  }
0x63: {  	s31 =	simm.s32 $0x3;
	[sflag:s30] =	ssyncadd.s32 $0xFFFFF000  }
0x64: {  	_ =	swait.ge [sflag:s31], $0x1000  }
0x65: {  	[sflag:s31] =	ssyncset.done $0x0  }
0x66: {  	[sflag:s31] =	ssyncadd.s32 $0xFFFFF000  }
0x67: {  	_ =	sfence.sel $0x180000  }
0x68: {  	[bflag:$0x0] =	sbarrier.arrive $0xFFFF  }
0x69: {  	p0 =	sne.s32 s1, $0x0;
	_ =	strace $0x90000047  }
0x6a: {  	s0 =	sadd.s32 @!p0 $0x100000, s0;
	[bflag:$0x2] =	sbarrier.arrive $0xFFFF  }
0x6b: {  	[sflag:s0] =	ssyncadd.tile.s32 @!p0 $0x1;
	_ =	shalt  }
.Lfunc_end2:
_tile_overlayer_lowered:
.L_overlay_start_2:
0x6c: {  	(tag) =	ssettag $0x2  }
0x6d: {  	s0 =	rddreg [dreg:$0x0];
	s2 =	stileid.u32  }
0x6e: {  	s1 =	rddreg [dreg:$0x1];
	p0 =	sne.s32 s2, $0x0  }
0x6f: {  	s3 =	rddreg [dreg:$0x2];
	[bflag:$0x3] =	sbarrier.arrive $0xFFFF;
	s2 =	simm.s32 @!p0 $0x1C04  }
0x70: {  	[timem:s3], [sflag:s2] =	dma.local @!p0 [hbm:s0], s1  }
0x71: {  	s0 =	simm.s32 @!p0 $0x4  }
0x72: {  	_ =	swait.ge @!p0 [sflag:s0], s1  }
0x73: {  	s1 =	ssub.s32 @!p0 $0x0, s1;
	[sflag:s0] =	ssyncset.done @!p0 $0x0  }
0x74: {  	[sflag:s0] =	ssyncadd.s32 @!p0 s1  }
0x75: {  	[bflag:$0x3] =	sbarrier.arrive $0xFFFF  }
0x76: {  	_ =	shalt  }

</sc_bundles>
